<compile_context>
chip_gen: v7x
topology: tpu7x:2x2x1
jax: 0.10.2.dev20260603
libtpu: 0.0.44.dev20260713+nightly
codegen_flags: <defaults>
</compile_context>

<pallas_src>
import jax
import jax.numpy as jnp
from jax.experimental import pallas as pl
from jax.experimental.pallas import tpu as pltpu

CLASSES = 128
CH = 128
EPS = 1e-5
WT = 2048


def _make_kernel(n_tok):
    inv_n = 1.0 / float(n_tok)

    def body(x_ref, w1_ref, b1_ref, g_ref, be_ref, wall_ref, ball_ref,
             out_ref, mask_ref, sy_ref, syy_ref, sc_ref, sh_ref):
        p = pl.program_id(0)
        first = jnp.logical_and(pl.program_id(1) == 0, pl.program_id(2) == 0)

        y = jax.lax.dot_general(
            w1_ref[...], x_ref[0].astype(jnp.bfloat16), (((1,), (0,)), ((), ())),
            preferred_element_type=jnp.float32) + b1_ref[...]

        @pl.when(p == 0)
        def _stats():
            @pl.when(first)
            def _():
                sy_ref[...] = jnp.zeros_like(sy_ref)
                syy_ref[...] = jnp.zeros_like(syy_ref)

            sy_ref[...] += jnp.sum(y, axis=1, keepdims=True)
            syy_ref[...] += jnp.sum(y * y, axis=1, keepdims=True)

        @pl.when(p == 1)
        def _fused():
            @pl.when(first)
            def _():
                mu = sy_ref[...] * inv_n
                var = syy_ref[...] * inv_n - mu * mu
                scale = g_ref[...] * jax.lax.rsqrt(var + EPS)
                sc_ref[...] = scale
                sh_ref[...] = be_ref[...] - mu * scale

            yn = y * sc_ref[...] + sh_ref[...]
            x_lat = jnp.where(yn >= 0, yn, 0.01 * yn).astype(jnp.bfloat16)
            z = jax.lax.dot_general(
                wall_ref[...], x_lat, (((1,), (0,)), ((), ())),
                preferred_element_type=jnp.float32) + ball_ref[...]
            logits = z[0:CLASSES, :]
            m = jnp.max(logits, axis=0, keepdims=True)
            row = jax.lax.broadcasted_iota(jnp.int32, logits.shape, 0)
            ind = jnp.min(jnp.where(logits == m, row, CLASSES),
                          axis=0, keepdims=True)
            allreg = z[CLASSES + 8:CLASSES + 8 + CLASSES, :]
            reg = jnp.sum(jnp.where(row == ind, allreg, 0.0),
                          axis=0, keepdims=True)
            out_ref[0] = (ind.astype(jnp.float32) + reg) * (1.0 / float(CLASSES))
            mz = z[CLASSES:CLASSES + 1, :]
            mask_ref[0] = jnp.where(mz >= 0, mz, 0.01 * mz)

    return body


def kernel(x, conv1_w, conv1_b, bn_gamma, bn_beta, conv2_w, conv2_b, cm_w, cm_b):
    B, CIN, H, W = x.shape
    n_w = W // WT
    xr = x.reshape(B, CIN, W)
    n_tok = B * H * W

    w1b = conv1_w.astype(jnp.bfloat16)
    w_all = jnp.concatenate(
        [conv2_w, jnp.zeros((7, CH), jnp.float32), cm_w[:, :, 0]],
        axis=0).astype(jnp.bfloat16)
    b_all = jnp.concatenate(
        [conv2_b, jnp.zeros((7,), jnp.float32), cm_b[:, 0]], axis=0)[:, None]

    col = lambda a: a[:, None]
    out, mask = pl.pallas_call(
        _make_kernel(n_tok),
        grid=(2, B, n_w),
        in_specs=[
            pl.BlockSpec((1, CIN, WT), lambda p, b, w: (b, 0, w)),
            pl.BlockSpec((CH, CIN), lambda p, b, w: (0, 0)),
            pl.BlockSpec((CH, 1), lambda p, b, w: (0, 0)),
            pl.BlockSpec((CH, 1), lambda p, b, w: (0, 0)),
            pl.BlockSpec((CH, 1), lambda p, b, w: (0, 0)),
            pl.BlockSpec((2 * CLASSES + 8, CH), lambda p, b, w: (0, 0)),
            pl.BlockSpec((2 * CLASSES + 8, 1), lambda p, b, w: (0, 0)),
        ],
        out_specs=[
            pl.BlockSpec((1, 1, WT), lambda p, b, w: (b * n_w + w, 0, 0)),
            pl.BlockSpec((1, 1, WT), lambda p, b, w: (b * n_w + w, 0, 0)),
        ],
        out_shape=[
            jax.ShapeDtypeStruct((B * n_w, 1, WT), jnp.float32),
            jax.ShapeDtypeStruct((B * n_w, 1, WT), jnp.float32),
        ],
        scratch_shapes=[
            pltpu.VMEM((CH, 1), jnp.float32),
            pltpu.VMEM((CH, 1), jnp.float32),
            pltpu.VMEM((CH, 1), jnp.float32),
            pltpu.VMEM((CH, 1), jnp.float32),
        ],
        compiler_params=pltpu.CompilerParams(
            dimension_semantics=("arbitrary", "arbitrary", "arbitrary")),
    )(xr, w1b, col(conv1_b), col(bn_gamma), col(bn_beta), w_all, b_all)

    return out.reshape(B, 1, 1, W), mask.reshape(B, 1, 1, W)

# --- scband reference (transcript-rebuilt; emitter-appended) ---
"""Pipeline reference for scband-cr8-reg-cond-mul-13975823582038 (READ-ONLY COPY).

The authoritative reference and input builder live on the scoring server;
editing this copy changes nothing except your own understanding.
"""

import jax, jax.numpy as jnp
import numpy as np

CLASSES = 128
CH_IN = 128
CH_LAT = 128
B = 32
H = 1
W = 8192


def setup_inputs(seed: int = 0) -> dict:
    key = jax.random.key(seed)
    ks = jax.random.split(key, 8)
    inp = {}
    inp["x"] = jax.random.normal(ks[0], (B, CH_IN, H, W), dtype=jnp.float32)
    inp["conv1_w"] = jax.random.normal(ks[1], (CH_LAT, CH_IN), dtype=jnp.float32) * 0.05
    inp["conv1_b"] = jax.random.normal(ks[2], (CH_LAT,), dtype=jnp.float32) * 0.05
    inp["bn_gamma"] = jnp.ones((CH_LAT,), dtype=jnp.float32)
    inp["bn_beta"] = jnp.zeros((CH_LAT,), dtype=jnp.float32)
    inp["conv2_w"] = jax.random.normal(ks[3], (CLASSES + 1, CH_LAT), dtype=jnp.float32) * 0.05
    inp["conv2_b"] = jax.random.normal(ks[4], (CLASSES + 1,), dtype=jnp.float32) * 0.05
    inp["cm_w"] = jax.random.normal(ks[5], (CLASSES, CH_LAT, 1), dtype=jnp.float32) * 0.05
    inp["cm_b"] = jnp.zeros((CLASSES, 1), dtype=jnp.float32)
    return inp


def reference(x, conv1_w, conv1_b, bn_gamma, bn_beta, conv2_w, conv2_b, cm_w, cm_b):
    batch_size = x.shape[0]
    # conv_1 (1x1 conv == per-pixel matmul)
    y = jnp.einsum('bchw,oc->bohw', x, conv1_w) + conv1_b[None, :, None, None]
    # BatchNorm2d in training mode: batch statistics over (B, H, W)
    mu = jnp.mean(y, axis=(0, 2, 3), keepdims=True)
    var = jnp.var(y, axis=(0, 2, 3), keepdims=True)
    y = (y - mu) / jnp.sqrt(var + 1e-5) * bn_gamma[None, :, None, None] + bn_beta[None, :, None, None]
    x_latent = jax.nn.leaky_relu(y, 0.01)
    # conv_2 (1x1 conv)
    z = jnp.einsum('bchw,oc->bohw', x_latent, conv2_w) + conv2_b[None, :, None, None]
    class_logits = z[:, 0:CLASSES, :, :]
    mask = jax.nn.leaky_relu(z[:, -1:, :, :], 0.01)
    # x_latent.transpose(1, 3).reshape(-1, C)  -> [B, W, H, C] -> [B*W*H, C]
    x_l = jnp.transpose(x_latent, (0, 3, 2, 1)).reshape(-1, x_latent.shape[1])
    inds = jnp.argmax(class_logits, axis=1)[:, None, :, :]  # [B, 1, H, W]
    flat_inds = inds.reshape(-1).astype(jnp.int32)
    # CondMul: per-token gather of class-conditional linear weights (MoE-style dispatch)
    w_g = jnp.take(cm_w, flat_inds, axis=0)  # [N, CH_LAT, 1]
    b_g = jnp.take(cm_b, flat_inds, axis=0)  # [N, 1]
    regression = jnp.einsum('nc,nco->no', x_l, w_g) + b_g  # [N, 1]
    regression = regression.reshape(batch_size, 1, 1, -1)
    out = (inds.astype(jnp.float32) + regression) * (1.0 / float(CLASSES))
    return out, mask

if __name__ == "__main__":
    import jax
    _d = setup_inputs()
    print(jax.jit(kernel)(*tuple(_d.values())))

</pallas_src>

<mosaic_0001>
module attributes {stable_mosaic.version = 14 : i64} {
  func.func @body(%arg0: i32, %arg1: i32, %arg2: i32, %arg3: memref<1x128x2048xf32, #tpu.memory_space<vmem>>, %arg4: memref<128x128xbf16, #tpu.memory_space<vmem>>, %arg5: memref<128x1xf32, #tpu.memory_space<vmem>>, %arg6: memref<128x1xf32, #tpu.memory_space<vmem>>, %arg7: memref<128x1xf32, #tpu.memory_space<vmem>>, %arg8: memref<264x128xbf16, #tpu.memory_space<vmem>>, %arg9: memref<264x1xf32, #tpu.memory_space<vmem>>, %arg10: memref<1x1x2048xf32, #tpu.memory_space<vmem>>, %arg11: memref<1x1x2048xf32, #tpu.memory_space<vmem>>, %arg12: memref<128x1xf32, #tpu.memory_space<vmem>>, %arg13: memref<128x1xf32, #tpu.memory_space<vmem>>, %arg14: memref<128x1xf32, #tpu.memory_space<vmem>>, %arg15: memref<128x1xf32, #tpu.memory_space<vmem>>) attributes {dimension_semantics = [#tpu.dimension_semantics<arbitrary>, #tpu.dimension_semantics<arbitrary>, #tpu.dimension_semantics<arbitrary>], iteration_bounds = array<i64: 2, 32, 4>, scalar_prefetch = 0 : i64, scratch_operands = 4 : i64, tpu.core_type = #tpu.core_type<tc>, window_params = [{transform_indices = @transform_0, window_bounds = array<i64: 1, 128, 2048>}, {pipeline_mode = #tpu.pipeline_mode<synchronous>, transform_indices = @transform_1, window_bounds = array<i64: 128, 128>}, {pipeline_mode = #tpu.pipeline_mode<synchronous>, transform_indices = @transform_2, window_bounds = array<i64: 128, 1>}, {pipeline_mode = #tpu.pipeline_mode<synchronous>, transform_indices = @transform_3, window_bounds = array<i64: 128, 1>}, {pipeline_mode = #tpu.pipeline_mode<synchronous>, transform_indices = @transform_4, window_bounds = array<i64: 128, 1>}, {pipeline_mode = #tpu.pipeline_mode<synchronous>, transform_indices = @transform_5, window_bounds = array<i64: 264, 128>}, {pipeline_mode = #tpu.pipeline_mode<synchronous>, transform_indices = @transform_6, window_bounds = array<i64: 264, 1>}, {transform_indices = @transform_7, window_bounds = array<i64: 1, 1, 2048>}, {transform_indices = @transform_8, window_bounds = array<i64: 1, 1, 2048>}]} {
    %eq3A = arith.constant 0 : i32
    %eq3A_0 = arith.cmpi eq, %arg1, %eq3A : i32
    %eq3A_1 = arith.constant 0 : i32
    %eq3A_2 = arith.cmpi eq, %arg2, %eq3A_1 : i32
    %and3A = arith.andi %eq3A_0, %eq3A_2 : i1
    %get3A = arith.constant 0 : index
    %get3A_3 = arith.constant 0 : index
    %get3A_4 = vector.load %arg4[%get3A, %get3A_3] : memref<128x128xbf16, #tpu.memory_space<vmem>>, vector<128x128xbf16>
    %get3A_5 = arith.constant 0 : index
    %get3A_6 = arith.constant 0 : index
    %get3A_7 = arith.constant 0 : index
    %get3A_8 = vector.load %arg3[%get3A_5, %get3A_6, %get3A_7] : memref<1x128x2048xf32, #tpu.memory_space<vmem>>, vector<1x128x2048xf32>
    %get3A_9 = vector.shape_cast %get3A_8 : vector<1x128x2048xf32> to vector<128x2048xf32>
    %convert_element_type3A = arith.truncf %get3A_9 : vector<128x2048xf32> to vector<128x2048xbf16>
    %dot_general3A = arith.constant dense<0.000000e+00> : vector<128x2048xf32>
    %dot_general3A_10 = tpu.matmul %get3A_4, %convert_element_type3A, %dot_general3A {dimension_numbers = #tpu.dot_dimension_numbers<[1], [0], [0], [1], [0, 0, 1, 1], [], []>, transpose_lhs_hint = false} : vector<128x128xbf16>, vector<128x2048xbf16>, vector<128x2048xf32> -> vector<128x2048xf32>
    %get3A_11 = arith.constant 0 : index
    %get3A_12 = arith.constant 0 : index
    %get3A_13 = vector.load %arg5[%get3A_11, %get3A_12] : memref<128x1xf32, #tpu.memory_space<vmem>>, vector<128x1xf32>
    %add3A = vector.broadcast %get3A_13 : vector<128x1xf32> to vector<128x2048xf32>
    %add3A_14 = arith.addf %dot_general3A_10, %add3A : vector<128x2048xf32>
    %eq3A_15 = arith.constant 0 : i32
    %eq3A_16 = arith.cmpi eq, %arg0, %eq3A_15 : i32
    %convert_element_type3A_17 = arith.extui %eq3A_16 : i1 to i32
    %cond3A = arith.constant 0 : i32
    %cond3A_18 = arith.cmpi ne, %convert_element_type3A_17, %cond3A : i32
    scf.if %cond3A_18 {
      %convert_element_type3A_24 = arith.extui %and3A : i1 to i32
      %cond3A_25 = arith.constant 0 : i32
      %cond3A_26 = arith.cmpi ne, %convert_element_type3A_24, %cond3A_25 : i32
      scf.if %cond3A_26 {
        %broadcast_in_dim3A_44 = arith.constant 0.000000e+00 : f32
        %broadcast_in_dim3A_45 = vector.broadcast %broadcast_in_dim3A_44 : f32 to vector<128x1xf32>
        %swap3A_46 = arith.constant 0 : index
        %swap3A_47 = arith.constant 0 : index
        %swap3A_48 = vector.load %arg12[%swap3A_46, %swap3A_47] : memref<128x1xf32, #tpu.memory_space<vmem>>, vector<128x1xf32>
        tpu.vector_store %arg12[%swap3A_46, %swap3A_47], %broadcast_in_dim3A_45 {strides = array<i32>} : memref<128x1xf32, #tpu.memory_space<vmem>>, vector<128x1xf32>,
        %broadcast_in_dim3A_49 = arith.constant 0.000000e+00 : f32
        %broadcast_in_dim3A_50 = vector.broadcast %broadcast_in_dim3A_49 : f32 to vector<128x1xf32>
        %swap3A_51 = arith.constant 0 : index
        %swap3A_52 = arith.constant 0 : index
        %swap3A_53 = vector.load %arg13[%swap3A_51, %swap3A_52] : memref<128x1xf32, #tpu.memory_space<vmem>>, vector<128x1xf32>
        tpu.vector_store %arg13[%swap3A_51, %swap3A_52], %broadcast_in_dim3A_50 {strides = array<i32>} : memref<128x1xf32, #tpu.memory_space<vmem>>, vector<128x1xf32>,
      } else {
      }
      %get3A_27 = arith.constant 0 : index
      %get3A_28 = arith.constant 0 : index
      %get3A_29 = vector.load %arg12[%get3A_27, %get3A_28] : memref<128x1xf32, #tpu.memory_space<vmem>>, vector<128x1xf32>
      %reduce_sum3A = arith.constant dense<0.000000e+00> : vector<128xf32>
      %reduce_sum3A_30 = vector.multi_reduction <add>, %add3A_14, %reduce_sum3A [1] : vector<128x2048xf32> to vector<128xf32>
      %broadcast_in_dim3A = vector.shape_cast %reduce_sum3A_30 : vector<128xf32> to vector<128x1xf32>
      %add3A_31 = arith.addf %get3A_29, %broadcast_in_dim3A : vector<128x1xf32>
      %swap3A = arith.constant 0 : index
      %swap3A_32 = arith.constant 0 : index
      %swap3A_33 = vector.load %arg12[%swap3A, %swap3A_32] : memref<128x1xf32, #tpu.memory_space<vmem>>, vector<128x1xf32>
      tpu.vector_store %arg12[%swap3A, %swap3A_32], %add3A_31 {strides = array<i32>} : memref<128x1xf32, #tpu.memory_space<vmem>>, vector<128x1xf32>,
      %get3A_34 = arith.constant 0 : index
      %get3A_35 = arith.constant 0 : index
      %get3A_36 = vector.load %arg13[%get3A_34, %get3A_35] : memref<128x1xf32, #tpu.memory_space<vmem>>, vector<128x1xf32>
      %mul3A = arith.mulf %add3A_14, %add3A_14 : vector<128x2048xf32>
      %reduce_sum3A_37 = arith.constant dense<0.000000e+00> : vector<128xf32>
      %reduce_sum3A_38 = vector.multi_reduction <add>, %mul3A, %reduce_sum3A_37 [1] : vector<128x2048xf32> to vector<128xf32>
      %broadcast_in_dim3A_39 = vector.shape_cast %reduce_sum3A_38 : vector<128xf32> to vector<128x1xf32>
      %add3A_40 = arith.addf %get3A_36, %broadcast_in_dim3A_39 : vector<128x1xf32>
      %swap3A_41 = arith.constant 0 : index
      %swap3A_42 = arith.constant 0 : index
      %swap3A_43 = vector.load %arg13[%swap3A_41, %swap3A_42] : memref<128x1xf32, #tpu.memory_space<vmem>>, vector<128x1xf32>
      tpu.vector_store %arg13[%swap3A_41, %swap3A_42], %add3A_40 {strides = array<i32>} : memref<128x1xf32, #tpu.memory_space<vmem>>, vector<128x1xf32>,
    } else {
    }
    %eq3A_19 = arith.constant 1 : i32
    %eq3A_20 = arith.cmpi eq, %arg0, %eq3A_19 : i32
    %convert_element_type3A_21 = arith.extui %eq3A_20 : i1 to i32
    %cond3A_22 = arith.constant 0 : i32
    %cond3A_23 = arith.cmpi ne, %convert_element_type3A_21, %cond3A_22 : i32
    scf.if %cond3A_23 {
      %convert_element_type3A_24 = arith.extui %and3A : i1 to i32
      %cond3A_25 = arith.constant 0 : i32
      %cond3A_26 = arith.cmpi ne, %convert_element_type3A_24, %cond3A_25 : i32
      scf.if %cond3A_26 {
        %get3A_91 = arith.constant 0 : index
        %get3A_92 = arith.constant 0 : index
        %get3A_93 = vector.load %arg12[%get3A_91, %get3A_92] : memref<128x1xf32, #tpu.memory_space<vmem>>, vector<128x1xf32>
        %mul3A_94 = arith.constant 3.81469727E-6 : f32
        %mul3A_95 = vector.broadcast %mul3A_94 : f32 to vector<128x1xf32>
        %mul3A_96 = arith.mulf %get3A_93, %mul3A_95 : vector<128x1xf32>
        %get3A_97 = arith.constant 0 : index
        %get3A_98 = arith.constant 0 : index
        %get3A_99 = vector.load %arg13[%get3A_97, %get3A_98] : memref<128x1xf32, #tpu.memory_space<vmem>>, vector<128x1xf32>
        %mul3A_100 = arith.constant 3.81469727E-6 : f32
        %mul3A_101 = vector.broadcast %mul3A_100 : f32 to vector<128x1xf32>
        %mul3A_102 = arith.mulf %get3A_99, %mul3A_101 : vector<128x1xf32>
        %mul3A_103 = arith.mulf %mul3A_96, %mul3A_96 : vector<128x1xf32>
        %sub3A = arith.subf %mul3A_102, %mul3A_103 : vector<128x1xf32>
        %get3A_104 = arith.constant 0 : index
        %get3A_105 = arith.constant 0 : index
        %get3A_106 = vector.load %arg6[%get3A_104, %get3A_105] : memref<128x1xf32, #tpu.memory_space<vmem>>, vector<128x1xf32>
        %add3A_107 = arith.constant 9.99999974E-6 : f32
        %add3A_108 = vector.broadcast %add3A_107 : f32 to vector<128x1xf32>
        %add3A_109 = arith.addf %sub3A, %add3A_108 : vector<128x1xf32>
        %rsqrt3A = math.rsqrt %add3A_109 : vector<128x1xf32>
        %mul3A_110 = arith.mulf %get3A_106, %rsqrt3A : vector<128x1xf32>
        %swap3A_111 = arith.constant 0 : index
        %swap3A_112 = arith.constant 0 : index
        %swap3A_113 = vector.load %arg14[%swap3A_111, %swap3A_112] : memref<128x1xf32, #tpu.memory_space<vmem>>, vector<128x1xf32>
        tpu.vector_store %arg14[%swap3A_111, %swap3A_112], %mul3A_110 {strides = array<i32>} : memref<128x1xf32, #tpu.memory_space<vmem>>, vector<128x1xf32>,
        %get3A_114 = arith.constant 0 : index
        %get3A_115 = arith.constant 0 : index
        %get3A_116 = vector.load %arg7[%get3A_114, %get3A_115] : memref<128x1xf32, #tpu.memory_space<vmem>>, vector<128x1xf32>
        %mul3A_117 = arith.mulf %mul3A_96, %mul3A_110 : vector<128x1xf32>
        %sub3A_118 = arith.subf %get3A_116, %mul3A_117 : vector<128x1xf32>
        %swap3A_119 = arith.constant 0 : index
        %swap3A_120 = arith.constant 0 : index
        %swap3A_121 = vector.load %arg15[%swap3A_119, %swap3A_120] : memref<128x1xf32, #tpu.memory_space<vmem>>, vector<128x1xf32>
        tpu.vector_store %arg15[%swap3A_119, %swap3A_120], %sub3A_118 {strides = array<i32>} : memref<128x1xf32, #tpu.memory_space<vmem>>, vector<128x1xf32>,
      } else {
      }
      %get3A_27 = arith.constant 0 : index
      %get3A_28 = arith.constant 0 : index
      %get3A_29 = vector.load %arg14[%get3A_27, %get3A_28] : memref<128x1xf32, #tpu.memory_space<vmem>>, vector<128x1xf32>
      %mul3A = vector.broadcast %get3A_29 : vector<128x1xf32> to vector<128x2048xf32>
      %mul3A_30 = arith.mulf %add3A_14, %mul3A : vector<128x2048xf32>
      %get3A_31 = arith.constant 0 : index
      %get3A_32 = arith.constant 0 : index
      %get3A_33 = vector.load %arg15[%get3A_31, %get3A_32] : memref<128x1xf32, #tpu.memory_space<vmem>>, vector<128x1xf32>
      %add3A_34 = vector.broadcast %get3A_33 : vector<128x1xf32> to vector<128x2048xf32>
      %add3A_35 = arith.addf %mul3A_30, %add3A_34 : vector<128x2048xf32>
      %ge3A = arith.constant 0.000000e+00 : f32
      %ge3A_36 = vector.broadcast %ge3A : f32 to vector<128x2048xf32>
      %ge3A_37 = arith.cmpf oge, %add3A_35, %ge3A_36 : vector<128x2048xf32>
      %mul3A_38 = arith.constant 0.00999999977 : f32
      %mul3A_39 = vector.broadcast %mul3A_38 : f32 to vector<128x2048xf32>
      %mul3A_40 = arith.mulf %mul3A_39, %add3A_35 : vector<128x2048xf32>
      %select_n3A = arith.select %ge3A_37, %add3A_35, %mul3A_40 : vector<128x2048xi1>, vector<128x2048xf32>
      %convert_element_type3A_41 = arith.truncf %select_n3A : vector<128x2048xf32> to vector<128x2048xbf16>
      %get3A_42 = arith.constant 0 : index
      %get3A_43 = arith.constant 0 : index
      %get3A_44 = vector.load %arg8[%get3A_42, %get3A_43] : memref<264x128xbf16, #tpu.memory_space<vmem>>, vector<264x128xbf16>
      %dot_general3A_45 = arith.constant dense<0.000000e+00> : vector<264x2048xf32>
      %dot_general3A_46 = tpu.matmul %get3A_44, %convert_element_type3A_41, %dot_general3A_45 {dimension_numbers = #tpu.dot_dimension_numbers<[1], [0], [0], [1], [0, 0, 1, 1], [], []>, transpose_lhs_hint = false} : vector<264x128xbf16>, vector<128x2048xbf16>, vector<264x2048xf32> -> vector<264x2048xf32>
      %get3A_47 = arith.constant 0 : index
      %get3A_48 = arith.constant 0 : index
      %get3A_49 = vector.load %arg9[%get3A_47, %get3A_48] : memref<264x1xf32, #tpu.memory_space<vmem>>, vector<264x1xf32>
      %add3A_50 = vector.broadcast %get3A_49 : vector<264x1xf32> to vector<264x2048xf32>
      %add3A_51 = arith.addf %dot_general3A_46, %add3A_50 : vector<264x2048xf32>
      %slice3A = vector.extract_strided_slice %add3A_51 {offsets = [0, 0], sizes = [128, 2048], strides = [1, 1]} : vector<264x2048xf32> to vector<128x2048xf32>
      %reduce_max3A = arith.constant dense<0xFF800000> : vector<2048xf32>
      %reduce_max3A_52 = vector.multi_reduction <maximumf>, %slice3A, %reduce_max3A [0] : vector<128x2048xf32> to vector<2048xf32>
      %broadcast_in_dim3A = vector.shape_cast %reduce_max3A_52 : vector<2048xf32> to vector<1x2048xf32>
      %iota3A = tpu.iota {dimensions = array<i32: 0>} : vector<128x2048xi32>
      %eq3A_53 = vector.broadcast %broadcast_in_dim3A : vector<1x2048xf32> to vector<128x2048xf32>
      %eq3A_54 = arith.cmpf oeq, %slice3A, %eq3A_53 : vector<128x2048xf32>
      %jit3A = arith.constant 128 : i32
      %broadcast_in_dim3A_55 = vector.broadcast %jit3A : i32 to vector<128x2048xi32>
      %select_n3A_56 = arith.select %eq3A_54, %iota3A, %broadcast_in_dim3A_55 : vector<128x2048xi1>, vector<128x2048xi32>
      %reduce_min3A = arith.constant dense<2147483647> : vector<2048xi32>
      %reduce_min3A_57 = vector.multi_reduction <minsi>, %select_n3A_56, %reduce_min3A [0] : vector<128x2048xi32> to vector<2048xi32>
      %broadcast_in_dim3A_58 = vector.shape_cast %reduce_min3A_57 : vector<2048xi32> to vector<1x2048xi32>
      %slice3A_59 = vector.extract_strided_slice %add3A_51 {offsets = [136, 0], sizes = [128, 2048], strides = [1, 1]} : vector<264x2048xf32> to vector<128x2048xf32>
      %eq3A_60 = vector.broadcast %broadcast_in_dim3A_58 : vector<1x2048xi32> to vector<128x2048xi32>
      %eq3A_61 = arith.cmpi eq, %iota3A, %eq3A_60 : vector<128x2048xi32>
      %jit3A_62 = arith.constant 0.000000e+00 : f32
      %broadcast_in_dim3A_63 = vector.broadcast %jit3A_62 : f32 to vector<128x2048xf32>
      %select_n3A_64 = arith.select %eq3A_61, %slice3A_59, %broadcast_in_dim3A_63 : vector<128x2048xi1>, vector<128x2048xf32>
      %reduce_sum3A = arith.constant dense<0.000000e+00> : vector<2048xf32>
      %reduce_sum3A_65 = vector.multi_reduction <add>, %select_n3A_64, %reduce_sum3A [0] : vector<128x2048xf32> to vector<2048xf32>
      %broadcast_in_dim3A_66 = vector.shape_cast %reduce_sum3A_65 : vector<2048xf32> to vector<1x2048xf32>
      %convert_element_type3A_67 = arith.sitofp %broadcast_in_dim3A_58 : vector<1x2048xi32> to vector<1x2048xf32>
      %add3A_68 = arith.addf %convert_element_type3A_67, %broadcast_in_dim3A_66 : vector<1x2048xf32>
      %mul3A_69 = arith.constant 7.812500e-03 : f32
      %mul3A_70 = vector.broadcast %mul3A_69 : f32 to vector<1x2048xf32>
      %mul3A_71 = arith.mulf %add3A_68, %mul3A_70 : vector<1x2048xf32>
      %swap3A = arith.constant 0 : index
      %swap3A_72 = arith.constant 0 : index
      %swap3A_73 = arith.constant 0 : index
      %swap3A_74 = vector.load %arg10[%swap3A, %swap3A_72, %swap3A_73] : memref<1x1x2048xf32, #tpu.memory_space<vmem>>, vector<1x1x2048xf32>
      %swap3A_75 = vector.shape_cast %swap3A_74 : vector<1x1x2048xf32> to vector<1x2048xf32>
      %swap3A_76 = vector.shape_cast %mul3A_71 : vector<1x2048xf32> to vector<1x1x2048xf32>
      tpu.vector_store %arg10[%swap3A, %swap3A_72, %swap3A_73], %swap3A_76 {strides = array<i32>} : memref<1x1x2048xf32, #tpu.memory_space<vmem>>, vector<1x1x2048xf32>,
      %slice3A_77 = vector.extract_strided_slice %add3A_51 {offsets = [128, 0], sizes = [1, 2048], strides = [1, 1]} : vector<264x2048xf32> to vector<1x2048xf32>
      %ge3A_78 = arith.constant 0.000000e+00 : f32
      %ge3A_79 = vector.broadcast %ge3A_78 : f32 to vector<1x2048xf32>
      %ge3A_80 = arith.cmpf oge, %slice3A_77, %ge3A_79 : vector<1x2048xf32>
      %mul3A_81 = arith.constant 0.00999999977 : f32
      %mul3A_82 = vector.broadcast %mul3A_81 : f32 to vector<1x2048xf32>
      %mul3A_83 = arith.mulf %mul3A_82, %slice3A_77 : vector<1x2048xf32>
      %select_n3A_84 = arith.select %ge3A_80, %slice3A_77, %mul3A_83 : vector<1x2048xi1>, vector<1x2048xf32>
      %swap3A_85 = arith.constant 0 : index
      %swap3A_86 = arith.constant 0 : index
      %swap3A_87 = arith.constant 0 : index
      %swap3A_88 = vector.load %arg11[%swap3A_85, %swap3A_86, %swap3A_87] : memref<1x1x2048xf32, #tpu.memory_space<vmem>>, vector<1x1x2048xf32>
      %swap3A_89 = vector.shape_cast %swap3A_88 : vector<1x1x2048xf32> to vector<1x2048xf32>
      %swap3A_90 = vector.shape_cast %select_n3A_84 : vector<1x2048xf32> to vector<1x1x2048xf32>
      tpu.vector_store %arg11[%swap3A_85, %swap3A_86, %swap3A_87], %swap3A_90 {strides = array<i32>} : memref<1x1x2048xf32, #tpu.memory_space<vmem>>, vector<1x1x2048xf32>,
    } else {
    }
    return
  }
  func.func @transform_0(%arg0: i32, %arg1: i32, %arg2: i32) -> (i32, i32, i32) {
    %c0_i32 = arith.constant 0 : i32
    %c0_i32_0 = arith.constant 0 : i32
    return %arg1, %c0_i32, %arg2 : i32, i32, i32
  }
  func.func @transform_1(%arg0: i32, %arg1: i32, %arg2: i32) -> (i32, i32) {
    %c0_i32 = arith.constant 0 : i32
    %c0_i32_0 = arith.constant 0 : i32
    %c0_i32_1 = arith.constant 0 : i32
    return %c0_i32, %c0_i32_0 : i32, i32
  }
  func.func @transform_2(%arg0: i32, %arg1: i32, %arg2: i32) -> (i32, i32) {
    %c0_i32 = arith.constant 0 : i32
    %c0_i32_0 = arith.constant 0 : i32
    %c0_i32_1 = arith.constant 0 : i32
    return %c0_i32, %c0_i32_0 : i32, i32
  }
  func.func @transform_3(%arg0: i32, %arg1: i32, %arg2: i32) -> (i32, i32) {
    %c0_i32 = arith.constant 0 : i32
    %c0_i32_0 = arith.constant 0 : i32
    %c0_i32_1 = arith.constant 0 : i32
    return %c0_i32, %c0_i32_0 : i32, i32
  }
  func.func @transform_4(%arg0: i32, %arg1: i32, %arg2: i32) -> (i32, i32) {
    %c0_i32 = arith.constant 0 : i32
    %c0_i32_0 = arith.constant 0 : i32
    %c0_i32_1 = arith.constant 0 : i32
    return %c0_i32, %c0_i32_0 : i32, i32
  }
  func.func @transform_5(%arg0: i32, %arg1: i32, %arg2: i32) -> (i32, i32) {
    %c0_i32 = arith.constant 0 : i32
    %c0_i32_0 = arith.constant 0 : i32
    %c0_i32_1 = arith.constant 0 : i32
    return %c0_i32, %c0_i32_0 : i32, i32
  }
  func.func @transform_6(%arg0: i32, %arg1: i32, %arg2: i32) -> (i32, i32) {
    %c0_i32 = arith.constant 0 : i32
    %c0_i32_0 = arith.constant 0 : i32
    %c0_i32_1 = arith.constant 0 : i32
    return %c0_i32, %c0_i32_0 : i32, i32
  }
  func.func @transform_7(%arg0: i32, %arg1: i32, %arg2: i32) -> (i32, i32, i32) {
    %mul3A = arith.constant 4 : i32
    %mul3A_0 = arith.muli %arg1, %mul3A : i32
    %add3A = arith.addi %mul3A_0, %arg2 : i32
    %c0_i32 = arith.constant 0 : i32
    %c0_i32_1 = arith.constant 0 : i32
    %c0_i32_2 = arith.constant 0 : i32
    return %add3A, %c0_i32, %c0_i32_1 : i32, i32, i32
  }
  func.func @transform_8(%arg0: i32, %arg1: i32, %arg2: i32) -> (i32, i32, i32) {
    %mul3A = arith.constant 4 : i32
    %mul3A_0 = arith.muli %arg1, %mul3A : i32
    %add3A = arith.addi %mul3A_0, %arg2 : i32
    %c0_i32 = arith.constant 0 : i32
    %c0_i32_1 = arith.constant 0 : i32
    %c0_i32_2 = arith.constant 0 : i32
    return %add3A, %c0_i32, %c0_i32_1 : i32, i32, i32
  }
}

</mosaic_0001>

<sc_bundles>
// kernel: sparse-core-data-format-call.cloned.1.call-start
scs
called_computation_lowered:
.L_overlay_start_0:
0x0: {  	s2 =	sld [smem:$0x3FD9]  }
0x1: {  	s3 =	sld [smem:$0x3FFE];
	_ =	sdelay $0x1  }
0x2: {  	s1 =	srdreg.scid  }
0x3: {  	s0 =	sand.u32 $0x1, s1  }
0x4: {  	s18 =	sshll.u32 s0, $0xA;
	s2 =	sadd.s32 s3, s2  }
0x5: {  	s2 =	sadd.s32 s2, s18  }
0x6: {  	[smem:$0x3FBF] =	sst s2  }
0x7: {  	_ = 	snop  }
0x8: {  	s2 =	sld [smem:$0x3FC9];
	(tm) =	ssettm $0x1  }
0x9: {  	s19 =	sld [smem:$0x3FFB];
	_ =	sdelay $0x3  }
0xa: {  	_ =	strace s19  }
0xb: {  	s3 =	sld [smem:$0x3FFC];
	_ =	sdelay $0x3  }
0xc: {  	_ =	strace s3  }
0xd: {  	s3 =	sld [smem:$0x3FFD];
	_ =	sdelay $0x3  }
0xe: {  	_ =	strace s3  }
0xf: {  	_ =	strace $0x8FFFFFFF  }
0x10: {  	s20 =	sld [smem:$0x3FDB];
	_ =	sdelay $0x1  }
0x11: {  	s4 =	simm.s32 $_scs_section_size  }
0x12: {  	s5 =	simm.s32 $_size__tile_overlayer_lowered;
	s6 =	simm.s32 $_tile_overlayer_lowered  }
0x13: {  	s23 =	simm.s32 $0x1BFF;
	s22 =	sshll.u32 s6, $0x1;
	s3 =	sadd.s32 s4, s20  }
0x14: {  	s7 =	simm.s32 $0x0;
	s21 =	sshll.u32 s5, $0x1;
	s5 =	sadd.s32 s22, s3  }
0x15: {  	[timem:s7], [sflag:s23] =	dma.local [hbm:s5], s21  }
0x16: {  	_ =	swait.ge [sflag:s23], s21  }
0x17: {  	s4 =	ssub.s32 $0x0, s21;
	[sflag:s23] =	ssyncset.done $0x0  }
0x18: {  	[sflag:s23] =	ssyncadd.s32 s4;
	_ =	sdelay $0x1  }
0x19: {  	s24 =	simm.s32 $0x1B8B  }
0x1a: {  	_ =	swait.ge [sflag:s24], $0x1  }
0x1b: {  	[sflag:s24] =	ssyncset.done $0x0  }
0x1c: {  	s26 =	simm.s32 $0x1B8E;
	s25 =	sld [smem:$0x3FFE];
	[sflag:s24] =	ssyncadd.s32 $0xFFFFFFFF  }
0x1d: {  	s27 =	simm.s32 $execute0_lowered;
	[smem:$0x3FD2] =	sst s26  }
0x1e: {  	s5 =	sshll.u32 s27, $0x1;
	_ =	strace $0x80000046;
	[dreg:$0x1] =	wrdreg $0xFFFFFFFF  }
0x1f: {  	s28 =	simm.s32 $_size_execute0_lowered;
	s3 =	sadd.s32 s3, s5;
	[dreg:$0x0] =	wrdreg $0x0  }
0x20: {  	s5 =	sshll.u32 s28, $0x1;
	[dreg:$0x2] =	wrdreg s3  }
0x21: {  	[dreg:$0x3] =	wrdreg s5  }
0x22: {  	[dreg:$0x4] =	wrdreg $0xC0  }
0x23: {  	_ =	task [dreg:s7], $0x5FFFF  }
0x24: {  	[dreg:$0x1] =	wrdreg $0xFFFFFFFF  }
0x25: {  	[dreg:$0x0] =	wrdreg $0x60  }
0x26: {  	[dreg:$0x2] =	wrdreg s2  }
0x27: {  	[dreg:$0x3] =	wrdreg s25  }
0x28: {  	[dreg:$0x4] =	wrdreg $0x9  }
0x29: {  	_ =	task.clear_ibuf [dreg:s7], $0x5FFFF;
	_ =	strace $0x90000046  }
0x2a: {  	s29 =	simm.s32 $0x9;
	_ =	strace $0x80000048  }
0x2b: {  	_ =	swait.ge [sflag:s29], $0x1  }
0x2c: {  	[sflag:s29] =	ssyncadd.s32 $0xFFFFFFFF  }
0x2d: {  	_ =	strace $0x90000048  }
0x2e: {  	_ =	sfence  }
0x2f: {  	s30 =	sld [smem:$0x0];
	_ =	sdelay $0x2  }
0x30: {  	s31 =	sshll.u32 s1, $0xD;
	s1 =	sshrl.u32 s1, $0x2  }
0x31: {  	s3 =	sand.u32 $0x4000, s31;
	s1 =	sadd.s32 s1, s30  }
0x32: {  	s0 =	sor.u32 s3, s0;
	s1 =	sshll.u32 s1, $0x11  }
0x33: {  	s0 =	sor.u32 s1, s0  }
0x34: {  	s0 =	sadd.s32 $0x8F2B, s0  }
0x35: {  	[sflag:s0] =	ssyncadd.remote.s32 $0x1  }
0x36: {  	_ =	sfence.sel $0xFFFF  }
0x37: {  	[dreg:$0x0] =	wrdreg $0xFFFFFFFF;
	(pc) =	sbr.abs _section_cstart, $3  }
0x38: {  	[dreg:$0x1] =	wrdreg $0xFFFFFFFF  }
0x39: {  	_ =	task.clear_ibuf [dreg:s7], $0x2FFFF;
	_ =	strace $0x9FFFFFFF  }
0x3a: {  	(tm) =	ssettm $0x7FFFFFFF  }
0x3b: {  	_ =	shalt  }
tec
execute0_lowered:
.L_overlay_start_1:
0x0: {  	(tag) =	ssettag $0x1  }
0x1: {  	s2 =	rddreg [dreg:$0x0]  }
0x2: {  	s1 =	rddreg [dreg:$0x1]  }
0x3: {  	s0 =	rddreg [dreg:$0x2];
	_ =	strace $0x80000047;
	s4 =	srdreg.scid  }
0x4: {  	s6 =	simm.s32 $0x2;
	s10 =	simm.s32 $0x0;
	p0 =	por $0x0, $0x0  }
.Ltmp0:
0x5: {  	s12 =	simm.s32 $0x0;
	s11 =	simm.s32 $0x0;
	(pc) =	sbr.rel .LBB1_1-.Ltmp0, $4  }
0x6: {  	s7 =	simm.s32 $0x0;
	s3 =	sadd.s32 $0x1600, s1;
	s5 =	sshll.u32 s4, $0x4  }
0x7: {  	s1 =	stileid.u32;
	s4 =	simm.s32 $0x1;
	s5 =	sand.u32 $0x10, s5  }
0x8: {  	s8 =	simm.s32 $0x0;
	[sflag:s4] =	ssyncpa.u1 $0x0;
	s5 =	sor.u32 s1, s5  }
0x9: {  	[sflag:s6] =	ssyncpa.u1 $0x0;
	s6 =	simm.s32 $0x0;
	s9 =	smov.u32 s5  }
.LBB1_7:
0xa: {  	s13 =	sadd.s32 $0x800, s7  }
0xb: {  	s10 =	sadd.s32 $0x8, s8;
	s14 =	smov.u32 s8;
	p2 =	sgt.s32 s13, $0x1FFF  }
0xc: {  	s14 =	smov.u32 @p2 s10  }
0xd: {  	s16 =	smov.u32 s9;
	s10 =	sadd.s32 $0x20, s9;
	p3 =	sgt.s32 s14, $0x7F  }
0xe: {  	p1 =	slt.u32 s6, $0x2;
	s16 =	smov.u32 @p3 s10  }
0xf: {  	s6 =	sadd.s32 $0x1, s6;
	s13 =	simm.s32 @p2 $0x0;
	p2 =	sgt.s32 s16, $0x1F  }
0x10: {  	s16 =	smov.u32 @p2 s5;
	p2 =	sne.s32 s6, $0x42  }
.Ltmp1:
0x11: {  	s15 =	simm.s32 @!p1 $0x2;
	(pc) =	sbr.rel @!p2 .LBB1_8-.Ltmp1, $4  }
0x12: {  	s12 =	smov.u32 s8;
	_ =	swait.ge @!p1 [sflag:s15], $0x4000  }
0x13: {  	s11 =	smov.u32 s9;
	p0 =	por !p0, !p0;
	[sflag:s15] =	ssyncset.done @!p1 $0x0  }
0x14: {  	s14 =	simm.s32 @p3 $0x0;
	s10 =	smov.u32 s7;
	[sflag:s15] =	ssyncadd.s32 @!p1 $0xFFFFC000  }
0x15: {  	s7 =	smov.u32 s13;
	s8 =	smov.u32 s14;
	s9 =	smov.u32 s16  }
.LBB1_1:
0x16: {  	p1 =	sgt.u32 s6, $0x3F  }
0x17: {  	s13 =	sxor.u32 @!p1 $0xFFFFFFFF, s6;
	s14 =	sshll.u32 @!p1 s9, $0x11  }
0x18: {  	s15 =	sshll.u32 @!p1 s8, $0xA;
	s16 =	sshrl.u32 @!p1 s7, $0x3;
	s14 =	sadd.s32 @!p1 s2, s14  }
0x19: {  	s13 =	sshll.u32 @!p1 s13, $0xE;
	s14 =	sadd.s32 @!p1 s15, s14;
	s15 =	sand.u32 @!p1 $0x7, s7  }
0x1a: {  	s16 =	sand.u32 @!p1 $0x3FF, s16;
	s13 =	sand.u32 @!p1 $0x4000, s13;
	s15 =	sshll.u32 @!p1 s15, $0x12  }
0x1b: {  	s14 =	sadd.s32 @!p1 s16, s14;
	s16 =	simm.s32 @!p1 $0x2000;
	s15 =	sor.u32 @!p1 $0x800, s15  }
0x1c: {  	[tilespmem:s13], [sflag:$0x1] =	stream.strided.gather @!p1 [hbm4b:s14+s15], $0x4000, s16, s15, $0x38;
	[tilespmem:$0x10000] =	vst v63  }
0x1d: {  	p1 =	seq.s32 s6, $0x0  }
0x1e: {  	p2 =	seq.s32 @!p1 s6, $0x41  }
0x1f: {  	p1 =	por p1, p2  }
.Ltmp2:
0x20: {  	_ = 	snop;
	(pc) =	sbr.rel @p1 .LBB1_7-.Ltmp2, $1  }
0x21: {  	_ =	sdelay $0x3  }
0x22: {  	s13 =	simm.s32 $0x1;
	_ =	swait.ge [sflag:s4], $0x4000;
	s16 =	sshll.u32 s6, $0xE  }
0x23: {  	s13 =	simm.s32 @!p0 $0x0;
	[sflag:s4] =	ssyncset.done $0x0;
	s31 =	sand.u32 $0x4000, s16  }
0x24: {  	s16 =	simm.s32 $0x0;
	s13 =	sshll.u32 s13, $0xE;
	[sflag:s4] =	ssyncadd.s32 $0xFFFFC000  }
0x25: {  	s14 =	sor.u32 $0x100, s13;
	s15 =	sor.u32 $0x8800, s13;
	s13 =	sor.u32 $0x8000, s31  }
.LBB1_3:
0x26: {  	v0 =	vld [tilespmem:s14+$0xF0]  }
0x27: {  	v1 =	vld [tilespmem:s14+$0xFFFFFF10]  }
0x28: {  	v2 =	vld [tilespmem:s14+$0xFFFFFF20]  }
0x29: {  	v3 =	vld [tilespmem:s14+$0xFFFFFF30]  }
0x2a: {  	v4 =	vld [tilespmem:s14+$0xFFFFFF40]  }
0x2b: {  	v5 =	vld [tilespmem:s14+$0xFFFFFF50];
	[tilespmem:s15+$0x470] =	vst v0  }
0x2c: {  	[tilespmem:s15+$0xFFFFF810] =	vst v1;
	v0 =	vld [tilespmem:s14+$0xFFFFFF60]  }
0x2d: {  	[tilespmem:s15+$0xFFFFF820] =	vst v2;
	v1 =	vld [tilespmem:s14+$0xFFFFFF70]  }
0x2e: {  	[tilespmem:s15+$0xFFFFF830] =	vst v3;
	v2 =	vld [tilespmem:s14+$0xFFFFFF80]  }
0x2f: {  	[tilespmem:s15+$0xFFFFF840] =	vst v4;
	v3 =	vld [tilespmem:s14+$0xFFFFFF90]  }
0x30: {  	[tilespmem:s15+$0xFFFFF850] =	vst v5;
	v4 =	vld [tilespmem:s14+$0xFFFFFFA0]  }
0x31: {  	v5 =	vld [tilespmem:s14+$0xA0];
	[tilespmem:s15+$0xFFFFF860] =	vst v0  }
0x32: {  	v0 =	vld [tilespmem:s14+$0xFFFFFFB0];
	[tilespmem:s15+$0xFFFFF870] =	vst v1  }
0x33: {  	v1 =	vld [tilespmem:s14+$0xFFFFFFC0];
	[tilespmem:s15+$0xFFFFFC00] =	vst v2  }
0x34: {  	[tilespmem:s15+$0xFFFFFC10] =	vst v3;
	v3 =	vld [tilespmem:s14+$0xFFFFFFE0]  }
0x35: {  	[tilespmem:s15+$0xFFFFFC20] =	vst v4;
	v4 =	vld [tilespmem:s14+$0xFFFFFFF0]  }
0x36: {  	v2 =	vld [tilespmem:s14+$0xFFFFFFD0];
	[tilespmem:s15+$0x420] =	vst v5  }
0x37: {  	[tilespmem:s15+$0xFFFFFC30] =	vst v0;
	v0 =	vld [tilespmem:s14+$0x0]  }
0x38: {  	[tilespmem:s15+$0xFFFFFC40] =	vst v1;
	v1 =	vld [tilespmem:s14+$0x10]  }
0x39: {  	[tilespmem:s15+$0xFFFFFC60] =	vst v3;
	v3 =	vld [tilespmem:s14+$0x30]  }
0x3a: {  	[tilespmem:s15+$0xFFFFFC70] =	vst v4;
	v4 =	vld [tilespmem:s14+$0x40]  }
0x3b: {  	[tilespmem:s15+$0xFFFFFC50] =	vst v2;
	v2 =	vld [tilespmem:s14+$0x20]  }
0x3c: {  	[tilespmem:s15+$0x0] =	vst v0;
	v0 =	vld [tilespmem:s14+$0x50]  }
0x3d: {  	[tilespmem:s15+$0x10] =	vst v1;
	v1 =	vld [tilespmem:s14+$0x60]  }
0x3e: {  	[tilespmem:s15+$0x30] =	vst v3;
	v3 =	vld [tilespmem:s14+$0x80]  }
0x3f: {  	[tilespmem:s15+$0x40] =	vst v4;
	v4 =	vld [tilespmem:s14+$0x90]  }
0x40: {  	[tilespmem:s15+$0x20] =	vst v2;
	v2 =	vld [tilespmem:s14+$0x70]  }
0x41: {  	[tilespmem:s15+$0x50] =	vst v0;
	v0 =	vld [tilespmem:s14+$0xB0]  }
0x42: {  	[tilespmem:s15+$0x60] =	vst v1;
	v1 =	vld [tilespmem:s14+$0xC0]  }
0x43: {  	[tilespmem:s15+$0x400] =	vst v3;
	v3 =	vld [tilespmem:s14+$0xD0]  }
0x44: {  	[tilespmem:s15+$0x410] =	vst v4;
	v4 =	vld [tilespmem:s14+$0xE0]  }
0x45: {  	s18 =	simm.s32 $0x0;
	s19 =	sadd.s32 $0x200, s14;
	s17 =	smov.u32 s15;
	[tilespmem:s15+$0x70] =	vst v2;
	v2 =	vld [tilespmem:s14+$0xFFFFFF00]  }
.LBB1_4:
0x46: {  	v5 =	vld [tilespmem:s19+$0xF0];
	s18 =	sadd.s32 $0x200, s18;
	[tilespmem:s17+$0x430] =	vst v0  }
0x47: {  	v0 =	vld [tilespmem:s19+$0xFFFFFF10];
	p1 =	slt.u32 s18, $0x600;
	[tilespmem:s17+$0x440] =	vst v1  }
0x48: {  	v1 =	vld [tilespmem:s19+$0xFFFFFF20];
	[tilespmem:s17+$0x450] =	vst v3  }
0x49: {  	v3 =	vld [tilespmem:s19+$0xFFFFFF30];
	[tilespmem:s17+$0x460] =	vst v4  }
0x4a: {  	v4 =	vld [tilespmem:s19+$0xFFFFFF40];
	[tilespmem:s17+$0xFFFFF800] =	vst v2;
	s17 =	sadd.s32 $0x1000, s17  }
0x4b: {  	v2 =	vld [tilespmem:s19+$0xFFFFFF50];
	[tilespmem:s17+$0x470] =	vst v5  }
0x4c: {  	[tilespmem:s17+$0xFFFFF810] =	vst v0;
	v0 =	vld [tilespmem:s19+$0xFFFFFF60]  }
0x4d: {  	[tilespmem:s17+$0xFFFFF820] =	vst v1;
	v1 =	vld [tilespmem:s19+$0xFFFFFF70]  }
0x4e: {  	[tilespmem:s17+$0xFFFFF830] =	vst v3;
	v3 =	vld [tilespmem:s19+$0xFFFFFF80]  }
0x4f: {  	[tilespmem:s17+$0xFFFFF840] =	vst v4;
	v4 =	vld [tilespmem:s19+$0xFFFFFF90]  }
0x50: {  	[tilespmem:s17+$0xFFFFF850] =	vst v2;
	v2 =	vld [tilespmem:s19+$0xFFFFFFA0]  }
0x51: {  	[tilespmem:s17+$0xFFFFF860] =	vst v0;
	v0 =	vld [tilespmem:s19+$0xFFFFFFB0]  }
0x52: {  	[tilespmem:s17+$0xFFFFF870] =	vst v1;
	v1 =	vld [tilespmem:s19+$0xFFFFFFC0]  }
0x53: {  	[tilespmem:s17+$0xFFFFFC00] =	vst v3;
	v3 =	vld [tilespmem:s19+$0xFFFFFFD0]  }
0x54: {  	[tilespmem:s17+$0xFFFFFC10] =	vst v4;
	v4 =	vld [tilespmem:s19+$0xFFFFFFE0]  }
0x55: {  	[tilespmem:s17+$0xFFFFFC20] =	vst v2;
	v2 =	vld [tilespmem:s19+$0xFFFFFFF0]  }
0x56: {  	[tilespmem:s17+$0xFFFFFC30] =	vst v0;
	v0 =	vld [tilespmem:s19+$0x0]  }
0x57: {  	[tilespmem:s17+$0xFFFFFC40] =	vst v1;
	v1 =	vld [tilespmem:s19+$0x10]  }
0x58: {  	[tilespmem:s17+$0xFFFFFC50] =	vst v3;
	v3 =	vld [tilespmem:s19+$0x20]  }
0x59: {  	[tilespmem:s17+$0xFFFFFC60] =	vst v4;
	v4 =	vld [tilespmem:s19+$0x30]  }
0x5a: {  	[tilespmem:s17+$0xFFFFFC70] =	vst v2;
	v2 =	vld [tilespmem:s19+$0x40]  }
0x5b: {  	[tilespmem:s17+$0x0] =	vst v0;
	v0 =	vld [tilespmem:s19+$0x50]  }
0x5c: {  	[tilespmem:s17+$0x10] =	vst v1;
	v1 =	vld [tilespmem:s19+$0x60]  }
0x5d: {  	[tilespmem:s17+$0x20] =	vst v3;
	v3 =	vld [tilespmem:s19+$0x70]  }
0x5e: {  	[tilespmem:s17+$0x30] =	vst v4;
	v4 =	vld [tilespmem:s19+$0x80]  }
0x5f: {  	[tilespmem:s17+$0x40] =	vst v2;
	v2 =	vld [tilespmem:s19+$0x90]  }
0x60: {  	[tilespmem:s17+$0x50] =	vst v0;
	v5 =	vld [tilespmem:s19+$0xA0]  }
.Ltmp3:
0x61: {  	[tilespmem:s17+$0x60] =	vst v1;
	v0 =	vld [tilespmem:s19+$0xB0];
	(pc) =	sbr.rel @p1 .LBB1_4-.Ltmp3, $4  }
0x62: {  	[tilespmem:s17+$0x70] =	vst v3;
	v1 =	vld [tilespmem:s19+$0xC0]  }
0x63: {  	[tilespmem:s17+$0x400] =	vst v4;
	v3 =	vld [tilespmem:s19+$0xD0]  }
0x64: {  	[tilespmem:s17+$0x410] =	vst v2;
	v4 =	vld [tilespmem:s19+$0xE0]  }
0x65: {  	v2 =	vld [tilespmem:s19+$0xFFFFFF00];
	[tilespmem:s17+$0x420] =	vst v5;
	s19 =	sadd.s32 $0x200, s19  }
0x66: {  	s16 =	sadd.s32 $0x1, s16  }
0x67: {  	p1 =	sne.s32 s16, $0x8  }
.Ltmp4:
0x68: {  	[tilespmem:s17+$0x430] =	vst v0;
	(pc) =	sbr.rel @p1 .LBB1_3-.Ltmp4, $4  }
0x69: {  	[tilespmem:s17+$0x440] =	vst v1  }
0x6a: {  	[tilespmem:s17+$0x450] =	vst v3  }
0x6b: {  	[tilespmem:s17+$0x460] =	vst v4  }
0x6c: {  	s14 =	sadd.s32 $0x800, s14;
	s15 =	sadd.s32 $0x80, s15;
	[tilespmem:s17+$0xFFFFF800] =	vst v2  }
0x6d: {  	s14 =	sand.u32 $0x78, s10;
	s15 =	sshll.u32 s12, $0xD;
	s16 =	sshll.u32 s10, $0x3  }
0x6e: {  	s29 =	sshll.u32 s12, $0x7;
	s11 =	sshll.u32 s11, $0x11;
	s15 =	sand.u32 $0xF0000, s15  }
0x6f: {  	s12 =	sand.u32 $0x380, s29;
	s15 =	sadd.s32 s15, s16;
	s16 =	sand.u32 $0x1C00, s16  }
.Ltmp5:
0x70: {  	s12 =	sor.u32 s12, s14;
	s30 =	sshrl.u32 s15, $0x3;
	(pc) =	sbr.rel .LBB1_7-.Ltmp5, $4  }
0x71: {  	s11 =	sadd.s32 s3, s11;
	s12 =	sor.u32 s16, s12;
	s14 =	sand.u32 $0x1FC00, s30  }
0x72: {  	s12 =	sshrl.u32 s12, $0x3;
	s11 =	sadd.s32 s14, s11  }
0x73: {  	s31 =	sand.u32 $0x7, s10;
	s11 =	sadd.s32 s12, s11  }
0x74: {  	[hbm4b:s11+s31] =	stream.linear.scatter [tilespmem:s13], [sflag:$0x2], $0x4000, $0x38;
	[tilespmem:$0x10000] =	vst v63  }
.LBB1_8:
0x75: {  	_ =	sfence.sel $0x180000  }
0x76: {  	s2 =	simm.s32 $0x1;
	[bflag:$0x0] =	sbarrier.arrive $0xFFFF  }
0x77: {  	s31 =	simm.s32 $0x2;
	[sflag:s2] =	ssyncpa.u1 $0x1  }
0x78: {  	[sflag:s31] =	ssyncpa.u1 $0x1  }
0x79: {  	p0 =	sne.s32 s1, $0x0;
	_ =	strace $0x90000047  }
0x7a: {  	s0 =	sadd.s32 @!p0 $0x100000, s0;
	[bflag:$0x2] =	sbarrier.arrive $0xFFFF  }
0x7b: {  	[sflag:s0] =	ssyncadd.tile.s32 @!p0 $0x1;
	_ =	shalt  }
.Lfunc_end1:
_tile_overlayer_lowered:
.L_overlay_start_2:
0x7c: {  	(tag) =	ssettag $0x2  }
0x7d: {  	s0 =	rddreg [dreg:$0x0];
	s2 =	stileid.u32  }
0x7e: {  	s1 =	rddreg [dreg:$0x1];
	p0 =	sne.s32 s2, $0x0  }
0x7f: {  	s3 =	rddreg [dreg:$0x2];
	[bflag:$0x3] =	sbarrier.arrive $0xFFFF;
	s2 =	simm.s32 @!p0 $0x1C01  }
0x80: {  	[timem:s3], [sflag:s2] =	dma.local @!p0 [hbm:s0], s1  }
0x81: {  	s0 =	simm.s32 @!p0 $0x1  }
0x82: {  	_ =	swait.ge @!p0 [sflag:s0], s1  }
0x83: {  	s1 =	ssub.s32 @!p0 $0x0, s1;
	[sflag:s0] =	ssyncset.done @!p0 $0x0  }
0x84: {  	[sflag:s0] =	ssyncadd.s32 @!p0 s1  }
0x85: {  	[bflag:$0x3] =	sbarrier.arrive $0xFFFF  }
0x86: {  	_ =	shalt  }

</sc_bundles>
